<compile_context>
chip_gen: v7x
topology: tpu7x:2x2x1
jax: 0.10.2.dev20260603
libtpu: 0.0.44.dev20260713+nightly
codegen_flags: <defaults>
</compile_context>

<pallas_src>
import dataclasses
import functools
import math

import jax
import jax.numpy as jnp
from jax import lax
from jax.experimental import pallas as pl
from jax.experimental.pallas import tpu as pltpu
from jax.experimental.pallas import tpu_sc as plsc

N = 100000
IN_FEATURES = 128
HIDDEN = 64
NUM_SEGMENTS = 512
SHIFT = float(math.log(2.0))

BLOCK = 12544
N_PAD = 100352

NUM_SUBCORES = 16
LANES = 16
CHUNK = N_PAD // NUM_SUBCORES
ROWS_PER_SUBCORE = NUM_SEGMENTS // NUM_SUBCORES


LOG2E = float(1.0 / math.log(2.0))
LN2 = float(math.log(2.0))


def _mlp_body(scaler_ref, w1_ref, b1_ref, w2_ref, b2_ref, q_ref):
    x = scaler_ref[...]
    h = jnp.dot(x, w1_ref[...], preferred_element_type=jnp.float32) + b1_ref[...]
    t = jnp.exp2(jnp.abs(h) * (-LOG2E))
    h = jnp.maximum(h, 0.0) + LN2 * (jnp.log2(1.0 + t) - 1.0)
    q_ref[...] = jnp.dot(h, w2_ref[...], preferred_element_type=jnp.float32) + b2_ref[...]


def _mlp_call(scaler, W1, b1, W2, b2):
    q = pl.pallas_call(
        _mlp_body,
        grid=(N_PAD // BLOCK,),
        in_specs=[
            pl.BlockSpec((BLOCK, IN_FEATURES), lambda i: (i, 0)),
            pl.BlockSpec((IN_FEATURES, HIDDEN), lambda i: (0, 0)),
            pl.BlockSpec((1, HIDDEN), lambda i: (0, 0)),
            pl.BlockSpec((HIDDEN, 1), lambda i: (0, 0)),
            pl.BlockSpec((1, 1), lambda i: (0, 0)),
        ],
        out_specs=pl.BlockSpec((BLOCK, 1), lambda i: (i, 0)),
        out_shape=jax.ShapeDtypeStruct((N_PAD, 1), jnp.float32),
    )(scaler, W1, b1.reshape(1, HIDDEN), W2, b2.reshape(1, 1))
    return q.reshape(N_PAD)


_SC_COMPILER_PARAMS = pltpu.CompilerParams()
if "needs_layout_passes" in pltpu.CompilerParams.__dataclass_fields__:
    _SC_COMPILER_PARAMS = dataclasses.replace(
        _SC_COMPILER_PARAMS, needs_layout_passes=False
    )


@functools.partial(
    pl.kernel,
    compiler_params=_SC_COMPILER_PARAMS,
    out_type=jax.ShapeDtypeStruct((NUM_SEGMENTS,), jnp.float32),
    mesh=plsc.VectorSubcoreMesh(core_axis_name="c", subcore_axis_name="s"),
    scratch_types=[
        pltpu.VMEM((CHUNK,), jnp.float32),
        pltpu.VMEM((CHUNK,), jnp.float32),
        pltpu.VMEM((CHUNK,), jnp.float32),
        pltpu.VMEM((CHUNK,), jnp.float32),
        pltpu.VMEM((CHUNK,), jnp.int32),
        pltpu.VMEM((NUM_SEGMENTS, LANES), jnp.float32),
        pltpu.VMEM((NUM_SEGMENTS,), jnp.float32),
        pltpu.VMEM((NUM_SEGMENTS,), jnp.int32),
        pltpu.VMEM((NUM_SEGMENTS,), jnp.float32),
        pltpu.VMEM((ROWS_PER_SUBCORE,), jnp.float32),
        pltpu.VMEM_SHARED((NUM_SEGMENTS,), jnp.float32),
        pltpu.SemaphoreType.DMA,
    ],
)
def _segsum(
    q_hbm, pos_hbm, id_hbm, out_hbm,
    q_loc, x_loc, y_loc, z_loc, id_loc,
    acc, red, iota512, zbuf, outbuf, shared, sem,
):
    cid = lax.axis_index("c")
    sid = lax.axis_index("s")

    @pl.when(cid == 0)
    def _():
        base = sid * CHUNK
        c1 = pltpu.async_copy(q_hbm.at[pl.ds(base, CHUNK)], q_loc, sem)
        c2 = pltpu.async_copy(pos_hbm.at[pl.ds(base, CHUNK)], x_loc, sem)
        c3 = pltpu.async_copy(pos_hbm.at[pl.ds(N_PAD + base, CHUNK)], y_loc, sem)
        c4 = pltpu.async_copy(pos_hbm.at[pl.ds(2 * N_PAD + base, CHUNK)], z_loc, sem)
        c5 = pltpu.async_copy(id_hbm.at[pl.ds(base, CHUNK)], id_loc, sem)

        zeros16 = jnp.zeros((LANES,), jnp.float32)
        lane = lax.iota(jnp.int32, LANES)

        @pl.loop(0, NUM_SEGMENTS)
        def _(r):
            acc[r] = zeros16

        @pl.loop(0, NUM_SEGMENTS, step=LANES)
        def _(r):
            iota512[pl.ds(r, LANES)] = lane + r

        @pl.when(sid == 0)
        def _():
            @pl.loop(0, NUM_SEGMENTS, step=LANES)
            def _(r):
                zbuf[pl.ds(r, LANES)] = zeros16

            pltpu.sync_copy(zbuf, shared)

        c1.wait()
        c2.wait()
        c3.wait()
        c4.wait()
        c5.wait()

        @pl.loop(0, CHUNK, step=LANES)
        def _(i):
            ids = id_loc[pl.ds(i, LANES)]
            xs = x_loc[pl.ds(i, LANES)]
            ys = y_loc[pl.ds(i, LANES)]
            zs = z_loc[pl.ds(i, LANES)]
            r2 = xs * xs + ys * ys + zs * zs
            vals = jnp.where(r2 > 0.0, q_loc[pl.ds(i, LANES)] * r2, 0.0)
            plsc.addupdate_scatter(acc, [ids, lane], vals)

        @pl.loop(0, NUM_SEGMENTS, step=LANES)
        def _(r):
            rows = r + lane
            tot = zeros16
            for l in range(LANES):
                col = jnp.full((LANES,), l, jnp.int32)
                tot = tot + plsc.load_gather(acc, [rows, col])
            red[pl.ds(r, LANES)] = tot

        plsc.subcore_barrier()
        pltpu.sync_copy(red, shared.at[iota512], add=True)
        plsc.subcore_barrier()

        rowbase = sid * ROWS_PER_SUBCORE
        pltpu.sync_copy(shared.at[pl.ds(rowbase, ROWS_PER_SUBCORE)], outbuf)
        pltpu.sync_copy(outbuf, out_hbm.at[pl.ds(rowbase, ROWS_PER_SUBCORE)])


def kernel(pos, scaler, vector, W1, b1, W2, b2, batch_index):
    del vector
    ids = jnp.pad(batch_index.astype(jnp.int32), (0, N_PAD - N))
    pos_t = jnp.pad(pos.T, ((0, 0), (0, N_PAD - N))).reshape(3 * N_PAD)
    q = _mlp_call(scaler, W1, b1, W2, b2)
    out = _segsum(q, pos_t, ids)
    return out.reshape(NUM_SEGMENTS, 1)

# --- scband reference (transcript-rebuilt; emitter-appended) ---
"""Pipeline reference for scband-electronic-spatial-extent-decoder-86973087744436 (READ-ONLY COPY).

The authoritative reference and input builder live on the scoring server;
editing this copy changes nothing except your own understanding.
"""

import jax, jax.numpy as jnp
import numpy as np

N = 100000
IN_FEATURES = 128
HIDDEN = 64
NUM_SEGMENTS = 512
SHIFT = float(np.log(2.0))

def setup_inputs(seed: int = 0) -> dict:
    key = jax.random.key(seed)
    k_pos, k_sc, k_vec, k_idx, k_w1, k_b1, k_w2, k_b2 = jax.random.split(key, 8)
    pos = jax.random.normal(k_pos, (N, 3), dtype=jnp.float32)
    scaler = jax.random.normal(k_sc, (N, IN_FEATURES), dtype=jnp.float32)
    vector = jax.random.normal(k_vec, (N, 3, IN_FEATURES), dtype=jnp.float32)
    batch_index = jnp.sort(jax.random.randint(k_idx, (N,), 0, NUM_SEGMENTS, dtype=jnp.int64))
    lim1 = 1.0 / np.sqrt(IN_FEATURES)
    W1 = jax.random.uniform(k_w1, (IN_FEATURES, HIDDEN), minval=-lim1, maxval=lim1, dtype=jnp.float32)
    b1 = jax.random.uniform(k_b1, (HIDDEN,), minval=-lim1, maxval=lim1, dtype=jnp.float32)
    lim2 = 1.0 / np.sqrt(HIDDEN)
    W2 = jax.random.uniform(k_w2, (HIDDEN, 1), minval=-lim2, maxval=lim2, dtype=jnp.float32)
    b2 = jax.random.uniform(k_b2, (1,), minval=-lim2, maxval=lim2, dtype=jnp.float32)
    return {"pos": pos, "scaler": scaler, "vector": vector, "W1": W1, "b1": b1, "W2": W2, "b2": b2, "batch_index": batch_index}

def reference(pos, scaler, vector, W1, b1, W2, b2, batch_index):
    # decoder_q: Linear(128,64) -> ShiftedSoftplus -> Linear(64,1)
    h = scaler @ W1 + b1
    h = jax.nn.softplus(h) - SHIFT
    q_i = h @ W2 + b2  # [N, 1]
    # r2_i = ||pos||^2 per node
    r2_i = jnp.sum(pos * pos, axis=1, keepdims=True)  # [N, 1]
    # scatter-sum over batch_index (segment reduce)
    out = jax.ops.segment_sum(q_i * r2_i, batch_index, num_segments=NUM_SEGMENTS)
    return out

if __name__ == "__main__":
    import jax
    _d = setup_inputs()
    print(jax.jit(kernel)(*tuple(_d.values())))

</pallas_src>

<mosaic_0001>
#map = affine_map<(d0, d1) -> (0)>
module attributes {stable_mosaic.version = 14 : i64} {
  func.func @_segsum(%arg0: i32, %arg1: i32, %arg2: memref<100352xf32, #tpu.memory_space<hbm>>, %arg3: memref<301056xf32, #tpu.memory_space<hbm>>, %arg4: memref<100352xi32, #tpu.memory_space<hbm>>, %arg5: memref<512xf32, #tpu.memory_space<hbm>>, %arg6: memref<6272xf32, #tpu.memory_space<vmem>>, %arg7: memref<6272xf32, #tpu.memory_space<vmem>>, %arg8: memref<6272xf32, #tpu.memory_space<vmem>>, %arg9: memref<6272xf32, #tpu.memory_space<vmem>>, %arg10: memref<6272xi32, #tpu.memory_space<vmem>>, %arg11: memref<512x16xf32, #tpu.memory_space<vmem>>, %arg12: memref<512xf32, #tpu.memory_space<vmem>>, %arg13: memref<512xi32, #tpu.memory_space<vmem>>, %arg14: memref<512xf32, #tpu.memory_space<vmem>>, %arg15: memref<32xf32, #tpu.memory_space<vmem>>, %arg16: memref<512xf32, #tpu.memory_space<vmem_shared>>, %arg17: memref<!tpu.dma_semaphore, #tpu.memory_space<semaphore_mem>>) attributes {dimension_semantics = [#tpu.dimension_semantics<core_parallel>, #tpu.dimension_semantics<subcore_parallel>], iteration_bounds = array<i64: 2, 16>, scalar_prefetch = 0 : i64, scratch_operands = 12 : i64, tpu.core_type = #tpu.core_type<sc_vector_subcore>, window_params = [{transform_indices = #map}, {transform_indices = #map}, {transform_indices = #map}, {transform_indices = #map}]} {
    %eq3A = arith.constant 0 : i32
    %eq3A_0 = arith.cmpi eq, %arg0, %eq3A : i32
    %convert_element_type3A = arith.extui %eq3A_0 : i1 to i32
    %cond3A = arith.constant 0 : i32
    %cond3A_1 = arith.cmpi ne, %convert_element_type3A, %cond3A : i32
    scf.if %cond3A_1 {
      %mul3A = arith.constant 6272 : i32
      %mul3A_2 = arith.muli %arg1, %mul3A : i32
      %dma_start3A = tpu.memref_slice %arg2[%mul3A_2] : memref<100352xf32, #tpu.memory_space<hbm>> -> memref<6272xf32, #tpu.memory_space<hbm>>
      %dma_start3A_3 = tpu.memref_slice %arg2[%mul3A_2] : memref<100352xf32, #tpu.memory_space<hbm>> -> memref<6272xf32, #tpu.memory_space<hbm>>
      tpu.enqueue_dma source(%dma_start3A_3 : memref<6272xf32, #tpu.memory_space<hbm>>) target(%arg6 : memref<6272xf32, #tpu.memory_space<vmem>>) target_semaphore(%arg17 : memref<!tpu.dma_semaphore, #tpu.memory_space<semaphore_mem>>)
      %dma_start3A_4 = tpu.memref_slice %arg3[%mul3A_2] : memref<301056xf32, #tpu.memory_space<hbm>> -> memref<6272xf32, #tpu.memory_space<hbm>>
      %dma_start3A_5 = tpu.memref_slice %arg3[%mul3A_2] : memref<301056xf32, #tpu.memory_space<hbm>> -> memref<6272xf32, #tpu.memory_space<hbm>>
      tpu.enqueue_dma source(%dma_start3A_5 : memref<6272xf32, #tpu.memory_space<hbm>>) target(%arg7 : memref<6272xf32, #tpu.memory_space<vmem>>) target_semaphore(%arg17 : memref<!tpu.dma_semaphore, #tpu.memory_space<semaphore_mem>>)
      %add3A = arith.constant 100352 : i32
      %add3A_6 = arith.addi %add3A, %mul3A_2 : i32
      %dma_start3A_7 = tpu.memref_slice %arg3[%add3A_6] : memref<301056xf32, #tpu.memory_space<hbm>> -> memref<6272xf32, #tpu.memory_space<hbm>>
      %dma_start3A_8 = tpu.memref_slice %arg3[%add3A_6] : memref<301056xf32, #tpu.memory_space<hbm>> -> memref<6272xf32, #tpu.memory_space<hbm>>
      tpu.enqueue_dma source(%dma_start3A_8 : memref<6272xf32, #tpu.memory_space<hbm>>) target(%arg8 : memref<6272xf32, #tpu.memory_space<vmem>>) target_semaphore(%arg17 : memref<!tpu.dma_semaphore, #tpu.memory_space<semaphore_mem>>)
      %add3A_9 = arith.constant 200704 : i32
      %add3A_10 = arith.addi %add3A_9, %mul3A_2 : i32
      %dma_start3A_11 = tpu.memref_slice %arg3[%add3A_10] : memref<301056xf32, #tpu.memory_space<hbm>> -> memref<6272xf32, #tpu.memory_space<hbm>>
      %dma_start3A_12 = tpu.memref_slice %arg3[%add3A_10] : memref<301056xf32, #tpu.memory_space<hbm>> -> memref<6272xf32, #tpu.memory_space<hbm>>
      tpu.enqueue_dma source(%dma_start3A_12 : memref<6272xf32, #tpu.memory_space<hbm>>) target(%arg9 : memref<6272xf32, #tpu.memory_space<vmem>>) target_semaphore(%arg17 : memref<!tpu.dma_semaphore, #tpu.memory_space<semaphore_mem>>)
      %dma_start3A_13 = tpu.memref_slice %arg4[%mul3A_2] : memref<100352xi32, #tpu.memory_space<hbm>> -> memref<6272xi32, #tpu.memory_space<hbm>>
      %dma_start3A_14 = tpu.memref_slice %arg4[%mul3A_2] : memref<100352xi32, #tpu.memory_space<hbm>> -> memref<6272xi32, #tpu.memory_space<hbm>>
      tpu.enqueue_dma source(%dma_start3A_14 : memref<6272xi32, #tpu.memory_space<hbm>>) target(%arg10 : memref<6272xi32, #tpu.memory_space<vmem>>) target_semaphore(%arg17 : memref<!tpu.dma_semaphore, #tpu.memory_space<semaphore_mem>>)
      %broadcast_in_dim3A = arith.constant 0.000000e+00 : f32
      %broadcast_in_dim3A_15 = vector.broadcast %broadcast_in_dim3A : f32 to vector<16xf32>
      %iota3A = tpu.iota {dimensions = array<i32: 0>} : vector<16xi32>
      %scan3A = arith.constant 0 : i32
      %scan3A_16 = arith.constant 512 : i32
      %scan3A_17 = arith.addi %scan3A, %scan3A_16 : i32
      %scan3A_18 = arith.constant 1 : i32
      scf.for %scan3A_52 = %scan3A to %scan3A_17 step %scan3A_18  : i32 {
        %mul3A_53 = arith.constant 1 : i32
        %mul3A_54 = arith.muli %scan3A_52, %mul3A_53 : i32
        %add3A_55 = arith.constant 0 : i32
        %add3A_56 = arith.addi %add3A_55, %mul3A_54 : i32
        %swap3A = arith.index_cast %add3A_56 : i32 to index
        %swap3A_57 = arith.constant 0 : index
        %swap3A_58 = tpu.vector_load %arg11[%swap3A, %swap3A_57] {strides = array<i32>} : memref<512x16xf32, #tpu.memory_space<vmem>>, vector<16xf32>,
        tpu.vector_store %arg11[%swap3A, %swap3A_57], %broadcast_in_dim3A_15 {strides = array<i32>} : memref<512x16xf32, #tpu.memory_space<vmem>>, vector<16xf32>,
      }
      %scan3A_19 = arith.constant 512 : i32
      %scan3A_20 = arith.constant 0 : i32
      %scan3A_21 = arith.constant 32 : i32
      %scan3A_22 = arith.addi %scan3A_20, %scan3A_21 : i32
      %scan3A_23 = arith.constant 1 : i32
      scf.for %scan3A_52 = %scan3A_20 to %scan3A_22 step %scan3A_23  : i32 {
        %mul3A_53 = arith.constant 16 : i32
        %mul3A_54 = arith.muli %scan3A_52, %mul3A_53 : i32
        %add3A_55 = arith.constant 0 : i32
        %add3A_56 = arith.addi %add3A_55, %mul3A_54 : i32
        %add3A_57 = vector.broadcast %add3A_56 : i32 to vector<16xi32>
        %add3A_58 = arith.addi %iota3A, %add3A_57 : vector<16xi32>
        %swap3A = arith.index_cast %add3A_56 : i32 to index
        %swap3A_59 = tpu.vector_load %arg13[%swap3A] {strides = array<i32>} : memref<512xi32, #tpu.memory_space<vmem>>, vector<16xi32>,
        tpu.vector_store %arg13[%swap3A], %add3A_58 {strides = array<i32>} : memref<512xi32, #tpu.memory_space<vmem>>, vector<16xi32>,
      }
      %scan3A_24 = arith.constant 32 : i32
      %eq3A_25 = arith.constant 0 : i32
      %eq3A_26 = arith.cmpi eq, %arg1, %eq3A_25 : i32
      %convert_element_type3A_27 = arith.extui %eq3A_26 : i1 to i32
      %cond3A_28 = arith.constant 0 : i32
      %cond3A_29 = arith.cmpi ne, %convert_element_type3A_27, %cond3A_28 : i32
      scf.if %cond3A_29 {
        %scan3A_52 = arith.constant 0 : i32
        %scan3A_53 = arith.constant 32 : i32
        %scan3A_54 = arith.addi %scan3A_52, %scan3A_53 : i32
        %scan3A_55 = arith.constant 1 : i32
        scf.for %scan3A_57 = %scan3A_52 to %scan3A_54 step %scan3A_55  : i32 {
          %mul3A_58 = arith.constant 16 : i32
          %mul3A_59 = arith.muli %scan3A_57, %mul3A_58 : i32
          %add3A_60 = arith.constant 0 : i32
          %add3A_61 = arith.addi %add3A_60, %mul3A_59 : i32
          %swap3A = arith.index_cast %add3A_61 : i32 to index
          %swap3A_62 = tpu.vector_load %arg14[%swap3A] {strides = array<i32>} : memref<512xf32, #tpu.memory_space<vmem>>, vector<16xf32>,
          tpu.vector_store %arg14[%swap3A], %broadcast_in_dim3A_15 {strides = array<i32>} : memref<512xf32, #tpu.memory_space<vmem>>, vector<16xf32>,
        }
        %scan3A_56 = arith.constant 32 : i32
        "tpu.region"() ({
          %run_scoped3A = tpu.sem_alloc : memref<!tpu.dma_semaphore, #tpu.memory_space<semaphore_mem>>
          tpu.enqueue_dma source(%arg14 : memref<512xf32, #tpu.memory_space<vmem>>) target(%arg16 : memref<512xf32, #tpu.memory_space<vmem_shared>>) target_semaphore(%run_scoped3A : memref<!tpu.dma_semaphore, #tpu.memory_space<semaphore_mem>>)
          tpu.wait_dma2 semaphore(%run_scoped3A : memref<!tpu.dma_semaphore, #tpu.memory_space<semaphore_mem>>) src(%arg14 : memref<512xf32, #tpu.memory_space<vmem>>) dst(%arg16 : memref<512xf32, #tpu.memory_space<vmem_shared>>)
          tpu.yield
        }) : () -> ()
      } else {
      }
      %dma_wait3A = tpu.memref_slice %arg2[%mul3A_2] : memref<100352xf32, #tpu.memory_space<hbm>> -> memref<6272xf32, #tpu.memory_space<hbm>>
      %dma_wait3A_30 = tpu.memref_slice %arg2[%mul3A_2] : memref<100352xf32, #tpu.memory_space<hbm>> -> memref<6272xf32, #tpu.memory_space<hbm>>
      tpu.wait_dma2 semaphore(%arg17 : memref<!tpu.dma_semaphore, #tpu.memory_space<semaphore_mem>>) src(%dma_wait3A_30 : memref<6272xf32, #tpu.memory_space<hbm>>) dst(%arg6 : memref<6272xf32, #tpu.memory_space<vmem>>)
      %dma_wait3A_31 = tpu.memref_slice %arg3[%mul3A_2] : memref<301056xf32, #tpu.memory_space<hbm>> -> memref<6272xf32, #tpu.memory_space<hbm>>
      %dma_wait3A_32 = tpu.memref_slice %arg3[%mul3A_2] : memref<301056xf32, #tpu.memory_space<hbm>> -> memref<6272xf32, #tpu.memory_space<hbm>>
      tpu.wait_dma2 semaphore(%arg17 : memref<!tpu.dma_semaphore, #tpu.memory_space<semaphore_mem>>) src(%dma_wait3A_32 : memref<6272xf32, #tpu.memory_space<hbm>>) dst(%arg7 : memref<6272xf32, #tpu.memory_space<vmem>>)
      %dma_wait3A_33 = tpu.memref_slice %arg3[%add3A_6] : memref<301056xf32, #tpu.memory_space<hbm>> -> memref<6272xf32, #tpu.memory_space<hbm>>
      %dma_wait3A_34 = tpu.memref_slice %arg3[%add3A_6] : memref<301056xf32, #tpu.memory_space<hbm>> -> memref<6272xf32, #tpu.memory_space<hbm>>
      tpu.wait_dma2 semaphore(%arg17 : memref<!tpu.dma_semaphore, #tpu.memory_space<semaphore_mem>>) src(%dma_wait3A_34 : memref<6272xf32, #tpu.memory_space<hbm>>) dst(%arg8 : memref<6272xf32, #tpu.memory_space<vmem>>)
      %dma_wait3A_35 = tpu.memref_slice %arg3[%add3A_10] : memref<301056xf32, #tpu.memory_space<hbm>> -> memref<6272xf32, #tpu.memory_space<hbm>>
      %dma_wait3A_36 = tpu.memref_slice %arg3[%add3A_10] : memref<301056xf32, #tpu.memory_space<hbm>> -> memref<6272xf32, #tpu.memory_space<hbm>>
      tpu.wait_dma2 semaphore(%arg17 : memref<!tpu.dma_semaphore, #tpu.memory_space<semaphore_mem>>) src(%dma_wait3A_36 : memref<6272xf32, #tpu.memory_space<hbm>>) dst(%arg9 : memref<6272xf32, #tpu.memory_space<vmem>>)
      %dma_wait3A_37 = tpu.memref_slice %arg4[%mul3A_2] : memref<100352xi32, #tpu.memory_space<hbm>> -> memref<6272xi32, #tpu.memory_space<hbm>>
      %dma_wait3A_38 = tpu.memref_slice %arg4[%mul3A_2] : memref<100352xi32, #tpu.memory_space<hbm>> -> memref<6272xi32, #tpu.memory_space<hbm>>
      tpu.wait_dma2 semaphore(%arg17 : memref<!tpu.dma_semaphore, #tpu.memory_space<semaphore_mem>>) src(%dma_wait3A_38 : memref<6272xi32, #tpu.memory_space<hbm>>) dst(%arg10 : memref<6272xi32, #tpu.memory_space<vmem>>)
      %scan3A_39 = arith.constant 0 : i32
      %scan3A_40 = arith.constant 392 : i32
      %scan3A_41 = arith.addi %scan3A_39, %scan3A_40 : i32
      %scan3A_42 = arith.constant 1 : i32
      scf.for %scan3A_52 = %scan3A_39 to %scan3A_41 step %scan3A_42  : i32 {
        %mul3A_53 = arith.constant 16 : i32
        %mul3A_54 = arith.muli %scan3A_52, %mul3A_53 : i32
        %add3A_55 = arith.constant 0 : i32
        %add3A_56 = arith.addi %add3A_55, %mul3A_54 : i32
        %get3A = arith.index_cast %add3A_56 : i32 to index
        %get3A_57 = tpu.vector_load %arg10[%get3A] {strides = array<i32>} : memref<6272xi32, #tpu.memory_space<vmem>>, vector<16xi32>,
        %get3A_58 = arith.index_cast %add3A_56 : i32 to index
        %get3A_59 = tpu.vector_load %arg7[%get3A_58] {strides = array<i32>} : memref<6272xf32, #tpu.memory_space<vmem>>, vector<16xf32>,
        %get3A_60 = arith.index_cast %add3A_56 : i32 to index
        %get3A_61 = tpu.vector_load %arg8[%get3A_60] {strides = array<i32>} : memref<6272xf32, #tpu.memory_space<vmem>>, vector<16xf32>,
        %get3A_62 = arith.index_cast %add3A_56 : i32 to index
        %get3A_63 = tpu.vector_load %arg9[%get3A_62] {strides = array<i32>} : memref<6272xf32, #tpu.memory_space<vmem>>, vector<16xf32>,
        %mul3A_64 = arith.mulf %get3A_59, %get3A_59 : vector<16xf32>
        %mul3A_65 = arith.mulf %get3A_61, %get3A_61 : vector<16xf32>
        %add3A_66 = arith.addf %mul3A_64, %mul3A_65 : vector<16xf32>
        %mul3A_67 = arith.mulf %get3A_63, %get3A_63 : vector<16xf32>
        %add3A_68 = arith.addf %add3A_66, %mul3A_67 : vector<16xf32>
        %gt3A = arith.constant 0.000000e+00 : f32
        %gt3A_69 = vector.broadcast %gt3A : f32 to vector<16xf32>
        %gt3A_70 = arith.cmpf ogt, %add3A_68, %gt3A_69 : vector<16xf32>
        %get3A_71 = arith.index_cast %add3A_56 : i32 to index
        %get3A_72 = tpu.vector_load %arg6[%get3A_71] {strides = array<i32>} : memref<6272xf32, #tpu.memory_space<vmem>>, vector<16xf32>,
        %mul3A_73 = arith.mulf %get3A_72, %add3A_68 : vector<16xf32>
        %jit3A = arith.constant 0.000000e+00 : f32
        %broadcast_in_dim3A_74 = vector.broadcast %jit3A : f32 to vector<16xf32>
        %select_n3A = arith.select %gt3A_70, %mul3A_73, %broadcast_in_dim3A_74 : vector<16xi1>, vector<16xf32>
        tpu.vector_store_idx %arg11[%get3A_57, %iota3A], %select_n3A {add = true} : memref<512x16xf32, #tpu.memory_space<vmem>>[vector<16xi32>, vector<16xi32>], vector<16xf32>,
      }
      %scan3A_43 = arith.constant 392 : i32
      %scan3A_44 = arith.constant 0 : i32
      %scan3A_45 = arith.constant 32 : i32
      %scan3A_46 = arith.addi %scan3A_44, %scan3A_45 : i32
      %scan3A_47 = arith.constant 1 : i32
      scf.for %scan3A_52 = %scan3A_44 to %scan3A_46 step %scan3A_47  : i32 {
        %mul3A_53 = arith.constant 16 : i32
        %mul3A_54 = arith.muli %scan3A_52, %mul3A_53 : i32
        %add3A_55 = arith.constant 0 : i32
        %add3A_56 = arith.addi %add3A_55, %mul3A_54 : i32
        %add3A_57 = vector.broadcast %add3A_56 : i32 to vector<16xi32>
        %add3A_58 = arith.addi %add3A_57, %iota3A : vector<16xi32>
        %broadcast_in_dim3A_59 = arith.constant 0 : i32
        %broadcast_in_dim3A_60 = vector.broadcast %broadcast_in_dim3A_59 : i32 to vector<16xi32>
        %gather3A = tpu.vector_load_idx %arg11[%add3A_58, %broadcast_in_dim3A_60] : memref<512x16xf32, #tpu.memory_space<vmem>>[vector<16xi32>, vector<16xi32>], vector<16xf32>,
        %add3A_61 = arith.addf %broadcast_in_dim3A_15, %gather3A : vector<16xf32>
        %broadcast_in_dim3A_62 = arith.constant 1 : i32
        %broadcast_in_dim3A_63 = vector.broadcast %broadcast_in_dim3A_62 : i32 to vector<16xi32>
        %gather3A_64 = tpu.vector_load_idx %arg11[%add3A_58, %broadcast_in_dim3A_63] : memref<512x16xf32, #tpu.memory_space<vmem>>[vector<16xi32>, vector<16xi32>], vector<16xf32>,
        %add3A_65 = arith.addf %add3A_61, %gather3A_64 : vector<16xf32>
        %broadcast_in_dim3A_66 = arith.constant 2 : i32
        %broadcast_in_dim3A_67 = vector.broadcast %broadcast_in_dim3A_66 : i32 to vector<16xi32>
        %gather3A_68 = tpu.vector_load_idx %arg11[%add3A_58, %broadcast_in_dim3A_67] : memref<512x16xf32, #tpu.memory_space<vmem>>[vector<16xi32>, vector<16xi32>], vector<16xf32>,
        %add3A_69 = arith.addf %add3A_65, %gather3A_68 : vector<16xf32>
        %broadcast_in_dim3A_70 = arith.constant 3 : i32
        %broadcast_in_dim3A_71 = vector.broadcast %broadcast_in_dim3A_70 : i32 to vector<16xi32>
        %gather3A_72 = tpu.vector_load_idx %arg11[%add3A_58, %broadcast_in_dim3A_71] : memref<512x16xf32, #tpu.memory_space<vmem>>[vector<16xi32>, vector<16xi32>], vector<16xf32>,
        %add3A_73 = arith.addf %add3A_69, %gather3A_72 : vector<16xf32>
        %broadcast_in_dim3A_74 = arith.constant 4 : i32
        %broadcast_in_dim3A_75 = vector.broadcast %broadcast_in_dim3A_74 : i32 to vector<16xi32>
        %gather3A_76 = tpu.vector_load_idx %arg11[%add3A_58, %broadcast_in_dim3A_75] : memref<512x16xf32, #tpu.memory_space<vmem>>[vector<16xi32>, vector<16xi32>], vector<16xf32>,
        %add3A_77 = arith.addf %add3A_73, %gather3A_76 : vector<16xf32>
        %broadcast_in_dim3A_78 = arith.constant 5 : i32
        %broadcast_in_dim3A_79 = vector.broadcast %broadcast_in_dim3A_78 : i32 to vector<16xi32>
        %gather3A_80 = tpu.vector_load_idx %arg11[%add3A_58, %broadcast_in_dim3A_79] : memref<512x16xf32, #tpu.memory_space<vmem>>[vector<16xi32>, vector<16xi32>], vector<16xf32>,
        %add3A_81 = arith.addf %add3A_77, %gather3A_80 : vector<16xf32>
        %broadcast_in_dim3A_82 = arith.constant 6 : i32
        %broadcast_in_dim3A_83 = vector.broadcast %broadcast_in_dim3A_82 : i32 to vector<16xi32>
        %gather3A_84 = tpu.vector_load_idx %arg11[%add3A_58, %broadcast_in_dim3A_83] : memref<512x16xf32, #tpu.memory_space<vmem>>[vector<16xi32>, vector<16xi32>], vector<16xf32>,
        %add3A_85 = arith.addf %add3A_81, %gather3A_84 : vector<16xf32>
        %broadcast_in_dim3A_86 = arith.constant 7 : i32
        %broadcast_in_dim3A_87 = vector.broadcast %broadcast_in_dim3A_86 : i32 to vector<16xi32>
        %gather3A_88 = tpu.vector_load_idx %arg11[%add3A_58, %broadcast_in_dim3A_87] : memref<512x16xf32, #tpu.memory_space<vmem>>[vector<16xi32>, vector<16xi32>], vector<16xf32>,
        %add3A_89 = arith.addf %add3A_85, %gather3A_88 : vector<16xf32>
        %broadcast_in_dim3A_90 = arith.constant 8 : i32
        %broadcast_in_dim3A_91 = vector.broadcast %broadcast_in_dim3A_90 : i32 to vector<16xi32>
        %gather3A_92 = tpu.vector_load_idx %arg11[%add3A_58, %broadcast_in_dim3A_91] : memref<512x16xf32, #tpu.memory_space<vmem>>[vector<16xi32>, vector<16xi32>], vector<16xf32>,
        %add3A_93 = arith.addf %add3A_89, %gather3A_92 : vector<16xf32>
        %broadcast_in_dim3A_94 = arith.constant 9 : i32
        %broadcast_in_dim3A_95 = vector.broadcast %broadcast_in_dim3A_94 : i32 to vector<16xi32>
        %gather3A_96 = tpu.vector_load_idx %arg11[%add3A_58, %broadcast_in_dim3A_95] : memref<512x16xf32, #tpu.memory_space<vmem>>[vector<16xi32>, vector<16xi32>], vector<16xf32>,
        %add3A_97 = arith.addf %add3A_93, %gather3A_96 : vector<16xf32>
        %broadcast_in_dim3A_98 = arith.constant 10 : i32
        %broadcast_in_dim3A_99 = vector.broadcast %broadcast_in_dim3A_98 : i32 to vector<16xi32>
        %gather3A_100 = tpu.vector_load_idx %arg11[%add3A_58, %broadcast_in_dim3A_99] : memref<512x16xf32, #tpu.memory_space<vmem>>[vector<16xi32>, vector<16xi32>], vector<16xf32>,
        %add3A_101 = arith.addf %add3A_97, %gather3A_100 : vector<16xf32>
        %broadcast_in_dim3A_102 = arith.constant 11 : i32
        %broadcast_in_dim3A_103 = vector.broadcast %broadcast_in_dim3A_102 : i32 to vector<16xi32>
        %gather3A_104 = tpu.vector_load_idx %arg11[%add3A_58, %broadcast_in_dim3A_103] : memref<512x16xf32, #tpu.memory_space<vmem>>[vector<16xi32>, vector<16xi32>], vector<16xf32>,
        %add3A_105 = arith.addf %add3A_101, %gather3A_104 : vector<16xf32>
        %broadcast_in_dim3A_106 = arith.constant 12 : i32
        %broadcast_in_dim3A_107 = vector.broadcast %broadcast_in_dim3A_106 : i32 to vector<16xi32>
        %gather3A_108 = tpu.vector_load_idx %arg11[%add3A_58, %broadcast_in_dim3A_107] : memref<512x16xf32, #tpu.memory_space<vmem>>[vector<16xi32>, vector<16xi32>], vector<16xf32>,
        %add3A_109 = arith.addf %add3A_105, %gather3A_108 : vector<16xf32>
        %broadcast_in_dim3A_110 = arith.constant 13 : i32
        %broadcast_in_dim3A_111 = vector.broadcast %broadcast_in_dim3A_110 : i32 to vector<16xi32>
        %gather3A_112 = tpu.vector_load_idx %arg11[%add3A_58, %broadcast_in_dim3A_111] : memref<512x16xf32, #tpu.memory_space<vmem>>[vector<16xi32>, vector<16xi32>], vector<16xf32>,
        %add3A_113 = arith.addf %add3A_109, %gather3A_112 : vector<16xf32>
        %broadcast_in_dim3A_114 = arith.constant 14 : i32
        %broadcast_in_dim3A_115 = vector.broadcast %broadcast_in_dim3A_114 : i32 to vector<16xi32>
        %gather3A_116 = tpu.vector_load_idx %arg11[%add3A_58, %broadcast_in_dim3A_115] : memref<512x16xf32, #tpu.memory_space<vmem>>[vector<16xi32>, vector<16xi32>], vector<16xf32>,
        %add3A_117 = arith.addf %add3A_113, %gather3A_116 : vector<16xf32>
        %broadcast_in_dim3A_118 = arith.constant 15 : i32
        %broadcast_in_dim3A_119 = vector.broadcast %broadcast_in_dim3A_118 : i32 to vector<16xi32>
        %gather3A_120 = tpu.vector_load_idx %arg11[%add3A_58, %broadcast_in_dim3A_119] : memref<512x16xf32, #tpu.memory_space<vmem>>[vector<16xi32>, vector<16xi32>], vector<16xf32>,
        %add3A_121 = arith.addf %add3A_117, %gather3A_120 : vector<16xf32>
        %swap3A = arith.index_cast %add3A_56 : i32 to index
        %swap3A_122 = tpu.vector_load %arg12[%swap3A] {strides = array<i32>} : memref<512xf32, #tpu.memory_space<vmem>>, vector<16xf32>,
        tpu.vector_store %arg12[%swap3A], %add3A_121 {strides = array<i32>} : memref<512xf32, #tpu.memory_space<vmem>>, vector<16xf32>,
      }
      %scan3A_48 = arith.constant 32 : i32
      %barrier3A = arith.constant 0 : index
      tpu.barrier barrier_id(%barrier3A)
      "tpu.region"() ({
        %run_scoped3A = tpu.sem_alloc : memref<!tpu.dma_semaphore, #tpu.memory_space<semaphore_mem>>
        %dma_start3A_52 = arith.constant 0 : i32
        %dma_start3A_53 = tpu.memref_slice %arg16[%dma_start3A_52] : memref<512xf32, #tpu.memory_space<vmem_shared>> -> memref<512xf32, #tpu.memory_space<vmem_shared>>
        tpu.enqueue_indirect_dma source(%arg12 : memref<512xf32, #tpu.memory_space<vmem>>) target(%dma_start3A_53 : memref<512xf32, #tpu.memory_space<vmem_shared>>) offsets(%arg13 : memref<512xi32, #tpu.memory_space<vmem>>) semaphore(%run_scoped3A : memref<!tpu.dma_semaphore, #tpu.memory_space<semaphore_mem>>) {add = true}
        %dma_wait3A_54 = arith.constant 0 : i32
        %dma_wait3A_55 = tpu.memref_slice %arg16[%dma_wait3A_54] : memref<512xf32, #tpu.memory_space<vmem_shared>> -> memref<512xf32, #tpu.memory_space<vmem_shared>>
        tpu.wait_indirect_dma semaphore(%run_scoped3A : memref<!tpu.dma_semaphore, #tpu.memory_space<semaphore_mem>>) src(%arg12 : memref<512xf32, #tpu.memory_space<vmem>>) dst(%dma_wait3A_55 : memref<512xf32, #tpu.memory_space<vmem_shared>>)
        tpu.yield
      }) : () -> ()
      %barrier3A_49 = arith.constant 0 : index
      tpu.barrier barrier_id(%barrier3A_49)
      %mul3A_50 = arith.constant 32 : i32
      %mul3A_51 = arith.muli %arg1, %mul3A_50 : i32
      "tpu.region"() ({
        %run_scoped3A = tpu.sem_alloc : memref<!tpu.dma_semaphore, #tpu.memory_space<semaphore_mem>>
        %dma_start3A_52 = tpu.memref_slice %arg16[%mul3A_51] : memref<512xf32, #tpu.memory_space<vmem_shared>> -> memref<32xf32, #tpu.memory_space<vmem_shared>>
        %dma_start3A_53 = tpu.memref_slice %arg16[%mul3A_51] : memref<512xf32, #tpu.memory_space<vmem_shared>> -> memref<32xf32, #tpu.memory_space<vmem_shared>>
        tpu.enqueue_dma source(%dma_start3A_53 : memref<32xf32, #tpu.memory_space<vmem_shared>>) target(%arg15 : memref<32xf32, #tpu.memory_space<vmem>>) target_semaphore(%run_scoped3A : memref<!tpu.dma_semaphore, #tpu.memory_space<semaphore_mem>>)
        %dma_wait3A_54 = tpu.memref_slice %arg16[%mul3A_51] : memref<512xf32, #tpu.memory_space<vmem_shared>> -> memref<32xf32, #tpu.memory_space<vmem_shared>>
        %dma_wait3A_55 = tpu.memref_slice %arg16[%mul3A_51] : memref<512xf32, #tpu.memory_space<vmem_shared>> -> memref<32xf32, #tpu.memory_space<vmem_shared>>
        tpu.wait_dma2 semaphore(%run_scoped3A : memref<!tpu.dma_semaphore, #tpu.memory_space<semaphore_mem>>) src(%dma_wait3A_55 : memref<32xf32, #tpu.memory_space<vmem_shared>>) dst(%arg15 : memref<32xf32, #tpu.memory_space<vmem>>)
        tpu.yield
      }) : () -> ()
      "tpu.region"() ({
        %run_scoped3A = tpu.sem_alloc : memref<!tpu.dma_semaphore, #tpu.memory_space<semaphore_mem>>
        %dma_start3A_52 = tpu.memref_slice %arg5[%mul3A_51] : memref<512xf32, #tpu.memory_space<hbm>> -> memref<32xf32, #tpu.memory_space<hbm>>
        %dma_start3A_53 = tpu.memref_slice %arg5[%mul3A_51] : memref<512xf32, #tpu.memory_space<hbm>> -> memref<32xf32, #tpu.memory_space<hbm>>
        tpu.enqueue_dma source(%arg15 : memref<32xf32, #tpu.memory_space<vmem>>) target(%dma_start3A_53 : memref<32xf32, #tpu.memory_space<hbm>>) target_semaphore(%run_scoped3A : memref<!tpu.dma_semaphore, #tpu.memory_space<semaphore_mem>>)
        %dma_wait3A_54 = tpu.memref_slice %arg5[%mul3A_51] : memref<512xf32, #tpu.memory_space<hbm>> -> memref<32xf32, #tpu.memory_space<hbm>>
        %dma_wait3A_55 = tpu.memref_slice %arg5[%mul3A_51] : memref<512xf32, #tpu.memory_space<hbm>> -> memref<32xf32, #tpu.memory_space<hbm>>
        tpu.wait_dma2 semaphore(%run_scoped3A : memref<!tpu.dma_semaphore, #tpu.memory_space<semaphore_mem>>) src(%arg15 : memref<32xf32, #tpu.memory_space<vmem>>) dst(%dma_wait3A_55 : memref<32xf32, #tpu.memory_space<hbm>>)
        tpu.yield
      }) : () -> ()
    } else {
    }
    return
  }
}

module attributes {stable_mosaic.version = 14 : i64} {
  func.func @_mlp_body(%arg0: i32, %arg1: memref<12544x128xf32, #tpu.memory_space<vmem>>, %arg2: memref<128x64xf32, #tpu.memory_space<vmem>>, %arg3: memref<1x64xf32, #tpu.memory_space<vmem>>, %arg4: memref<64x1xf32, #tpu.memory_space<vmem>>, %arg5: memref<1x1xf32, #tpu.memory_space<vmem>>, %arg6: memref<12544x1xf32, #tpu.memory_space<vmem>>) attributes {dimension_semantics = [#tpu.dimension_semantics<arbitrary>], iteration_bounds = array<i64: 8>, scalar_prefetch = 0 : i64, scratch_operands = 0 : i64, tpu.core_type = #tpu.core_type<tc>, window_params = [{transform_indices = @transform_0, window_bounds = array<i64: 12544, 128>}, {pipeline_mode = #tpu.pipeline_mode<synchronous>, transform_indices = @transform_1, window_bounds = array<i64: 128, 64>}, {pipeline_mode = #tpu.pipeline_mode<synchronous>, transform_indices = @transform_2, window_bounds = array<i64: 1, 64>}, {pipeline_mode = #tpu.pipeline_mode<synchronous>, transform_indices = @transform_3, window_bounds = array<i64: 64, 1>}, {pipeline_mode = #tpu.pipeline_mode<synchronous>, transform_indices = @transform_4, window_bounds = array<i64: 1, 1>}, {transform_indices = @transform_5, window_bounds = array<i64: 12544, 1>}]} {
    %get3A = arith.constant 0 : index
    %get3A_0 = arith.constant 0 : index
    %get3A_1 = vector.load %arg1[%get3A, %get3A_0] : memref<12544x128xf32, #tpu.memory_space<vmem>>, vector<12544x128xf32>
    %get3A_2 = arith.constant 0 : index
    %get3A_3 = arith.constant 0 : index
    %get3A_4 = vector.load %arg2[%get3A_2, %get3A_3] : memref<128x64xf32, #tpu.memory_space<vmem>>, vector<128x64xf32>
    %dot_general3A = arith.constant dense<0.000000e+00> : vector<12544x64xf32>
    %dot_general3A_5 = tpu.matmul %get3A_1, %get3A_4, %dot_general3A {dimension_numbers = #tpu.dot_dimension_numbers<[1], [0], [0], [1], [0, 0, 1, 1], [], []>, transpose_lhs_hint = false} : vector<12544x128xf32>, vector<128x64xf32>, vector<12544x64xf32> -> vector<12544x64xf32>
    %get3A_6 = arith.constant 0 : index
    %get3A_7 = arith.constant 0 : index
    %get3A_8 = vector.load %arg3[%get3A_6, %get3A_7] : memref<1x64xf32, #tpu.memory_space<vmem>>, vector<1x64xf32>
    %add3A = vector.broadcast %get3A_8 : vector<1x64xf32> to vector<12544x64xf32>
    %add3A_9 = arith.addf %dot_general3A_5, %add3A : vector<12544x64xf32>
    %abs3A = math.absf %add3A_9 : vector<12544x64xf32>
    %mul3A = arith.constant -1.44269502 : f32
    %mul3A_10 = vector.broadcast %mul3A : f32 to vector<12544x64xf32>
    %mul3A_11 = arith.mulf %abs3A, %mul3A_10 : vector<12544x64xf32>
    %exp23A = math.exp2 %mul3A_11 : vector<12544x64xf32>
    %max3A = arith.constant 0.000000e+00 : f32
    %max3A_12 = vector.broadcast %max3A : f32 to vector<12544x64xf32>
    %max3A_13 = arith.maximumf %add3A_9, %max3A_12 : vector<12544x64xf32>
    %add3A_14 = arith.constant 1.000000e+00 : f32
    %add3A_15 = vector.broadcast %add3A_14 : f32 to vector<12544x64xf32>
    %add3A_16 = arith.addf %add3A_15, %exp23A : vector<12544x64xf32>
    %log3A = math.log %add3A_16 : vector<12544x64xf32>
    %log3A_17 = arith.constant 2.000000e+00 : f32
    %log3A_18 = math.log %log3A_17 : f32
    %div3A = vector.broadcast %log3A_18 : f32 to vector<12544x64xf32>
    %div3A_19 = arith.divf %log3A, %div3A : vector<12544x64xf32>
    %sub3A = arith.constant 1.000000e+00 : f32
    %sub3A_20 = vector.broadcast %sub3A : f32 to vector<12544x64xf32>
    %sub3A_21 = arith.subf %div3A_19, %sub3A_20 : vector<12544x64xf32>
    %mul3A_22 = arith.constant 0.693147182 : f32
    %mul3A_23 = vector.broadcast %mul3A_22 : f32 to vector<12544x64xf32>
    %mul3A_24 = arith.mulf %mul3A_23, %sub3A_21 : vector<12544x64xf32>
    %add3A_25 = arith.addf %max3A_13, %mul3A_24 : vector<12544x64xf32>
    %get3A_26 = arith.constant 0 : index
    %get3A_27 = arith.constant 0 : index
    %get3A_28 = vector.load %arg4[%get3A_26, %get3A_27] : memref<64x1xf32, #tpu.memory_space<vmem>>, vector<64x1xf32>
    %dot_general3A_29 = arith.constant dense<0.000000e+00> : vector<12544x1xf32>
    %dot_general3A_30 = tpu.matmul %add3A_25, %get3A_28, %dot_general3A_29 {dimension_numbers = #tpu.dot_dimension_numbers<[1], [0], [0], [1], [0, 0, 1, 1], [], []>, transpose_lhs_hint = false} : vector<12544x64xf32>, vector<64x1xf32>, vector<12544x1xf32> -> vector<12544x1xf32>
    %get3A_31 = arith.constant 0 : index
    %get3A_32 = arith.constant 0 : index
    %get3A_33 = vector.load %arg5[%get3A_31, %get3A_32] : memref<1x1xf32, #tpu.memory_space<vmem>>, vector<1x1xf32>
    %add3A_34 = vector.broadcast %get3A_33 : vector<1x1xf32> to vector<12544x1xf32>
    %add3A_35 = arith.addf %dot_general3A_30, %add3A_34 : vector<12544x1xf32>
    %swap3A = arith.constant 0 : index
    %swap3A_36 = arith.constant 0 : index
    %swap3A_37 = vector.load %arg6[%swap3A, %swap3A_36] : memref<12544x1xf32, #tpu.memory_space<vmem>>, vector<12544x1xf32>
    tpu.vector_store %arg6[%swap3A, %swap3A_36], %add3A_35 {strides = array<i32>} : memref<12544x1xf32, #tpu.memory_space<vmem>>, vector<12544x1xf32>,
    return
  }
  func.func @transform_0(%arg0: i32) -> (i32, i32) {
    %c0_i32 = arith.constant 0 : i32
    %c0_i32_0 = arith.constant 0 : i32
    return %arg0, %c0_i32 : i32, i32
  }
  func.func @transform_1(%arg0: i32) -> (i32, i32) {
    %c0_i32 = arith.constant 0 : i32
    %c0_i32_0 = arith.constant 0 : i32
    %c0_i32_1 = arith.constant 0 : i32
    return %c0_i32, %c0_i32_0 : i32, i32
  }
  func.func @transform_2(%arg0: i32) -> (i32, i32) {
    %c0_i32 = arith.constant 0 : i32
    %c0_i32_0 = arith.constant 0 : i32
    %c0_i32_1 = arith.constant 0 : i32
    return %c0_i32, %c0_i32_0 : i32, i32
  }
  func.func @transform_3(%arg0: i32) -> (i32, i32) {
    %c0_i32 = arith.constant 0 : i32
    %c0_i32_0 = arith.constant 0 : i32
    %c0_i32_1 = arith.constant 0 : i32
    return %c0_i32, %c0_i32_0 : i32, i32
  }
  func.func @transform_4(%arg0: i32) -> (i32, i32) {
    %c0_i32 = arith.constant 0 : i32
    %c0_i32_0 = arith.constant 0 : i32
    %c0_i32_1 = arith.constant 0 : i32
    return %c0_i32, %c0_i32_0 : i32, i32
  }
  func.func @transform_5(%arg0: i32) -> (i32, i32) {
    %c0_i32 = arith.constant 0 : i32
    %c0_i32_0 = arith.constant 0 : i32
    return %arg0, %c0_i32 : i32, i32
  }
}

</mosaic_0001>

<sc_bundles>
// kernel: kernel.4.cloned.1.call-start
scs
__scs_entry_jumppad:
0x0: {  	(pc) =	sbr.rel $0x88, $3  }
0x1: {  	(tag) =	ssettag $0x0;
	lr =	simm.s32 $0x1  }
0x2: {  	[smem:$0x3F9A] =	sst lr;
	_ =	strace $0xD0000000  }
0x3: {  	_ = 	snop  }
0x4: {  	_ = 	snop  }
0x5: {  	_ = 	snop  }
0x6: {  	_ = 	snop  }
0x7: {  	_ = 	snop  }
__scs_overlays_trampoline_lowered:
0x8: {  	[smem:$0x3FA9] =	sst s0  }
0x9: {  	[smem:$0x3FAA] =	sst s1  }
0xa: {  	[smem:$0x3FAB] =	sst s2  }
0xb: {  	[smem:$0x3FAC] =	sst s3  }
0xc: {  	[smem:$0x3FAD] =	sst s4  }
0xd: {  	[smem:$0x3FAE] =	sst s5  }
0xe: {  	[smem:$0x3FAF] =	sst s6  }
0xf: {  	[smem:$0x3FB0] =	sst s7  }
0x10: {  	[smem:$0x3FB1] =	sst s8  }
0x11: {  	[smem:$0x3FB2] =	sst s9;
	s0 =	simm.s32 @!p0 $0x0  }
0x12: {  	s1 =	sld [smem:$0x3F98];
	s0 =	simm.s32 @p0 $0x1  }
0x13: {  	[smem:$0x3FB3] =	sst s0;
	s0 =	simm.s32 @!p1 $0x0  }
0x14: {  	s2 =	sld [smem:$0x3F97];
	s0 =	simm.s32 @p1 $0x1  }
0x15: {  	[smem:$0x3FB4] =	sst s0;
	s0 =	simm.s32 @!p2 $0x0  }
0x16: {  	s3 =	sld [smem:$0x3FDB];
	s0 =	simm.s32 @p2 $0x1  }
0x17: {  	s4 =	simm.s32 $0x1BF5;
	[smem:$0x3FB6] =	sst s0  }
0x18: {  	s0 =	sld [smem:$0x3F99];
	_ =	swait.ge [sflag:s4], $0x0  }
0x19: {  	s7 =	sld [smem:$0x3F9A]  }
0x1a: {  	s8 =	sadd.s32 $0xFFFFE003, lr  }
0x1b: {  	s9 =	sadd.s32 $0xFFFFFEF7, lr;
	s5 =	simm.s32 $0xFFFFFFFF;
	p2 =	slt.u32 s8, $0xFFFFF086  }
0x1c: {  	p1 =	slt.u32 s9, $0xF7A;
	s5 =	simm.s32 @!p2 $0x0  }
0x1d: {  	s5 =	simm.s32 @p1 $0x1;
	p0 =	seq.s32 s7, s2  }
0x1e: {  	s7 =	smul.u32 @!p0 $0xF7A, s2;
	p2 =	seq.s32 @!p0 s5, $0x0  }
0x1f: {  	s9 =	smul.u32 $0xF7A, s1;
	s8 =	simm.s32 @!p0 $0x1BF5;
	p2 =	por !p2, p0  }
0x20: {  	[sflag:s8] =	ssyncset.s32 @!p0 $0xFFFFF086;
	s6 =	sadd.s32 @!p0 s3, s7;
	s7 =	simm.s32 @!p0 $0x108  }
0x21: {  	s3 =	sadd.s32 s3, s9;
	s6 =	sadd.s32 @!p0 $0x88, s6;
	s7 =	simm.s32 @p2 $0x1082  }
0x22: {  	[simem:s7], [sflag:s8] =	dma.local @!p0 [hbm:s6], $0xF7A  }
0x23: {  	s9 =	sor.u32 $0xD0000000, s2;
	s6 =	simm.s32 $0x108;
	_ =	swait.ge @!p0 [sflag:s8], $0x0  }
0x24: {  	s3 =	sadd.s32 $0x88, s3;
	s6 =	simm.s32 @!p1 $0x1082;
	[sflag:s4] =	ssyncset.s32 $0xFFFFF086  }
0x25: {  	[simem:s6], [sflag:s4] =	dma.local [hbm:s3], $0xF7A  }
0x26: {  	[smem:$0x3F9A] =	sst s1;
	(tag) =	ssettag s2;
	_ =	strace s9  }
0x27: {  	s1 =	sld [smem:$0x3FAA]  }
0x28: {  	s2 =	sld [smem:$0x3FAB]  }
0x29: {  	s4 =	sld [smem:$0x3FAD]  }
0x2a: {  	p0 =	seq.s32 s5, $0x0;
	s5 =	sld [smem:$0x3FAE]  }
0x2b: {  	s6 =	sld [smem:$0x3FAF]  }
0x2c: {  	s7 =	sld [smem:$0x3FB0]  }
0x2d: {  	s3 =	simm.s32 $0x108;
	s8 =	sld [smem:$0x3FB1]  }
0x2e: {  	s3 =	simm.s32 @!p0 $0x1082;
	s9 =	sld [smem:$0x3FB2]  }
0x2f: {  	lr =	sadd.s32 s0, s3;
	s0 =	sld [smem:$0x3FA9]  }
0x30: {  	s3 =	sld [smem:$0x3FAC]  }
0x31: {  	[smem:$0x3FB5] =	sst s10  }
0x32: {  	s10 =	sld [smem:$0x3FB3];
	_ =	sdelay $0x3  }
0x33: {  	p0 =	seq.s32 s10, $0x1;
	s10 =	sld [smem:$0x3FB5];
	_ =	sdelay $0x3  }
0x34: {  	[smem:$0x3FB5] =	sst s10  }
0x35: {  	s10 =	sld [smem:$0x3FB4];
	_ =	sdelay $0x3  }
0x36: {  	p1 =	seq.s32 s10, $0x1;
	s10 =	sld [smem:$0x3FB5];
	_ =	sdelay $0x3  }
0x37: {  	[smem:$0x3FB5] =	sst s10  }
0x38: {  	s10 =	sld [smem:$0x3FB6]  }
0x39: {  	_ = 	snop;
	(pc) =	sbr.ind lr, $3  }
0x3a: {  	_ = 	snop  }
0x3b: {  	_ = 	snop  }
0x3c: {  	p2 =	seq.s32 s10, $0x1;
	s10 =	sld [smem:$0x3FB5]  }
0x3d: {  	_ =	shalt  }
0x3e: {  	_ =	shalt  }
0x3f: {  	_ =	shalt  }
0x40: {  	_ =	shalt  }
0x41: {  	_ =	shalt  }
0x42: {  	_ =	shalt  }
0x43: {  	_ =	shalt  }
0x44: {  	_ =	shalt  }
0x45: {  	_ =	shalt  }
0x46: {  	_ =	shalt  }
0x47: {  	_ =	shalt  }
0x48: {  	_ =	shalt  }
0x49: {  	_ =	shalt  }
0x4a: {  	_ =	shalt  }
0x4b: {  	_ =	shalt  }
0x4c: {  	_ =	shalt  }
0x4d: {  	_ =	shalt  }
0x4e: {  	_ =	shalt  }
0x4f: {  	_ =	shalt  }
0x50: {  	_ =	shalt  }
0x51: {  	_ =	shalt  }
0x52: {  	_ =	shalt  }
0x53: {  	_ =	shalt  }
0x54: {  	_ =	shalt  }
0x55: {  	_ =	shalt  }
0x56: {  	_ =	shalt  }
0x57: {  	_ =	shalt  }
0x58: {  	_ =	shalt  }
0x59: {  	_ =	shalt  }
0x5a: {  	_ =	shalt  }
0x5b: {  	_ =	shalt  }
0x5c: {  	_ =	shalt  }
0x5d: {  	_ =	shalt  }
0x5e: {  	_ =	shalt  }
0x5f: {  	_ =	shalt  }
0x60: {  	_ =	shalt  }
0x61: {  	_ =	shalt  }
0x62: {  	_ =	shalt  }
0x63: {  	_ =	shalt  }
0x64: {  	_ =	shalt  }
0x65: {  	_ =	shalt  }
0x66: {  	_ =	shalt  }
0x67: {  	_ =	shalt  }
0x68: {  	_ =	shalt  }
0x69: {  	_ =	shalt  }
0x6a: {  	_ =	shalt  }
0x6b: {  	_ =	shalt  }
0x6c: {  	_ =	shalt  }
0x6d: {  	_ =	shalt  }
0x6e: {  	_ =	shalt  }
0x6f: {  	_ =	shalt  }
0x70: {  	_ =	shalt  }
0x71: {  	_ =	shalt  }
0x72: {  	_ =	shalt  }
0x73: {  	_ =	shalt  }
0x74: {  	_ =	shalt  }
0x75: {  	_ =	shalt  }
0x76: {  	_ =	shalt  }
0x77: {  	_ =	shalt  }
0x78: {  	_ =	shalt  }
0x79: {  	_ =	shalt  }
0x7a: {  	_ =	shalt  }
0x7b: {  	_ =	shalt  }
0x7c: {  	_ =	shalt  }
0x7d: {  	_ =	shalt  }
0x7e: {  	_ =	shalt  }
0x7f: {  	_ =	shalt  }
0x80: {  	_ =	shalt  }
0x81: {  	_ =	shalt  }
0x82: {  	_ =	shalt  }
0x83: {  	_ =	shalt  }
0x84: {  	_ =	shalt  }
0x85: {  	_ =	shalt  }
0x86: {  	_ =	shalt  }
0x87: {  	_ =	shalt  }
.Lfunc_end0:
.L_simem_size_0:
called_computation_lowered:
.L_overlay_start_0:
0x88: {  	s2 =	sld [smem:$0x3FD9]  }
0x89: {  	s3 =	sld [smem:$0x3FFE];
	_ =	sdelay $0x1  }
0x8a: {  	s1 =	srdreg.scid  }
0x8b: {  	s0 =	sand.u32 $0x1, s1  }
0x8c: {  	s17 =	sshll.u32 s0, $0xA;
	s2 =	sadd.s32 s3, s2  }
0x8d: {  	s2 =	sadd.s32 s2, s17  }
0x8e: {  	[smem:$0x3FC1] =	sst s2  }
0x8f: {  	_ = 	snop  }
0x90: {  	s2 =	sld [smem:$0x3FD0];
	(tm) =	ssettm $0x1  }
0x91: {  	s18 =	sld [smem:$0x3FFB];
	_ =	sdelay $0x3  }
0x92: {  	_ =	strace s18  }
0x93: {  	s3 =	sld [smem:$0x3FFC];
	_ =	sdelay $0x3  }
0x94: {  	_ =	strace s3  }
0x95: {  	s3 =	sld [smem:$0x3FFD];
	_ =	sdelay $0x3  }
0x96: {  	_ =	strace s3  }
0x97: {  	_ =	strace $0x8FFFFFFF  }
0x98: {  	s19 =	sld [smem:$0x3FDB];
	_ =	sdelay $0x1  }
0x99: {  	s4 =	simm.s32 $_scs_section_size  }
0x9a: {  	s5 =	simm.s32 $_size__tile_overlayer_lowered;
	s6 =	simm.s32 $_tile_overlayer_lowered  }
0x9b: {  	s22 =	simm.s32 $0x1BFF;
	s21 =	sshll.u32 s6, $0x1;
	s3 =	sadd.s32 s4, s19  }
0x9c: {  	s7 =	simm.s32 $0x0;
	s20 =	sshll.u32 s5, $0x1;
	s5 =	sadd.s32 s21, s3  }
0x9d: {  	[timem:s7], [sflag:s22] =	dma.local [hbm:s5], s20  }
0x9e: {  	_ =	swait.ge [sflag:s22], s20  }
0x9f: {  	s4 =	ssub.s32 $0x0, s20;
	[sflag:s22] =	ssyncset.done $0x0  }
0xa0: {  	[sflag:s22] =	ssyncadd.s32 s4;
	_ =	sdelay $0x1  }
0xa1: {  	s23 =	simm.s32 $0x1B8B  }
0xa2: {  	_ =	swait.ge [sflag:s23], $0x1  }
0xa3: {  	[sflag:s23] =	ssyncset.done $0x0  }
0xa4: {  	s25 =	simm.s32 $0x1B8E;
	s24 =	sld [smem:$0x3FFE];
	[sflag:s23] =	ssyncadd.s32 $0xFFFFFFFF  }
0xa5: {  	s26 =	simm.s32 $execute0_lowered;
	[smem:$0x3FD2] =	sst s25  }
0xa6: {  	s5 =	sshll.u32 s26, $0x1;
	_ =	strace $0x80000046;
	[dreg:$0x1] =	wrdreg $0xFFFFFFFF  }
0xa7: {  	s28 =	simm.s32 $_size_execute0_lowered;
	s3 =	sadd.s32 s3, s5;
	[dreg:$0x0] =	wrdreg $0x0  }
0xa8: {  	s5 =	sshll.u32 s28, $0x1;
	[dreg:$0x2] =	wrdreg s3  }
0xa9: {  	[dreg:$0x3] =	wrdreg s5  }
0xaa: {  	[dreg:$0x4] =	wrdreg $0xC0  }
0xab: {  	_ =	task [dreg:s7], $0x5FFFF  }
0xac: {  	[dreg:$0x1] =	wrdreg $0xFFFFFFFF  }
0xad: {  	[dreg:$0x0] =	wrdreg $0x60  }
0xae: {  	[dreg:$0x2] =	wrdreg s24  }
0xaf: {  	[dreg:$0x3] =	wrdreg s2  }
0xb0: {  	[dreg:$0x4] =	wrdreg $0x181000  }
0xb1: {  	[dreg:$0x5] =	wrdreg $0x9  }
0xb2: {  	_ =	task.clear_ibuf [dreg:s7], $0x6FFFF;
	_ =	strace $0x90000046  }
0xb3: {  	s29 =	simm.s32 $0x9;
	_ =	strace $0x80000048  }
0xb4: {  	_ =	swait.ge [sflag:s29], $0x1  }
0xb5: {  	[sflag:s29] =	ssyncadd.s32 $0xFFFFFFFF  }
0xb6: {  	_ =	strace $0x90000048  }
0xb7: {  	_ =	sfence  }
0xb8: {  	s30 =	sld [smem:$0x0];
	_ =	sdelay $0x2  }
0xb9: {  	s31 =	sshll.u32 s1, $0xD;
	s1 =	sshrl.u32 s1, $0x2  }
0xba: {  	s3 =	sand.u32 $0x4000, s31;
	s1 =	sadd.s32 s1, s30  }
0xbb: {  	s0 =	sor.u32 s3, s0;
	s1 =	sshll.u32 s1, $0x11  }
0xbc: {  	s0 =	sor.u32 s1, s0  }
0xbd: {  	s0 =	sadd.s32 $0x8F2B, s0  }
0xbe: {  	[sflag:s0] =	ssyncadd.remote.s32 $0x1  }
0xbf: {  	_ =	sfence.sel $0xFFFF  }
0xc0: {  	[dreg:$0x0] =	wrdreg $0xFFFFFFFF;
	(pc) =	sbr.abs _section_cstart, $3  }
0xc1: {  	[dreg:$0x1] =	wrdreg $0xFFFFFFFF  }
0xc2: {  	_ =	task.clear_ibuf [dreg:s7], $0x2FFFF;
	_ =	strace $0x9FFFFFFF  }
0xc3: {  	(tm) =	ssettm $0x7FFFFFFF  }
tec
execute0_lowered:
.L_overlay_start_1:
0x0: {  	(tag) =	ssettag $0x1  }
0x1: {  	s1 =	srdreg.scid  }
0x2: {  	s1 =	sand.u32 $0x1, s1  }
0x3: {  	p0 =	seq.s32 s1, $0x1  }
.Ltmp0:
0x4: {  	s4 =	rddreg [dreg:$0x0];
	(pc) =	sbr.rel @p0 .LBB2_10-.Ltmp0, $4  }
0x5: {  	s3 =	rddreg [dreg:$0x1]  }
0x6: {  	s2 =	rddreg [dreg:$0x2];
	s5 =	simm.s32 $0x0  }
0x7: {  	[smem:$0x7FF] =	sst s5  }
0x8: {  	s0 =	rddreg [dreg:$0x3];
	_ =	strace $0x80000047;
	s1 =	stileid.u32  }
0x9: {  	s6 =	smul.u32 $0x1880, s1;
	_ =	sdelay $0x1  }
0xa: {  	s7 =	sadd.s32 $0x191800, s4;
	s6 =	sshrl.u32 s6, $0x3  }
0xb: {  	s8 =	sadd.s32 $0x400, s4;
	s7 =	sadd.s32 s7, s6  }
0xc: {  	[tilespmem:s5], [sflag:$0x1] =	stream.linear.gather [hbm4b:s7+s5], $0x1880, $0x38;
	[tilespmem:$0x18120] =	vst v63  }
0xd: {  	s24 =	simm.s32 $0x1880;
	s23 =	sadd.s32 s8, s6  }
0xe: {  	[tilespmem:s24], [sflag:$0x1] =	stream.linear.gather [hbm4b:s23+s5], $0x1880, $0x38;
	[tilespmem:$0x18120] =	vst v63  }
0xf: {  	s9 =	simm.s32 $0x3100;
	s26 =	sadd.s32 $0x9800, s4;
	s25 =	sadd.s32 $0x3100, s23  }
0x10: {  	[tilespmem:s9], [sflag:$0x1] =	stream.linear.gather [hbm4b:s25+s5], $0x1880, $0x38;
	[tilespmem:$0x18120] =	vst v63  }
0x11: {  	s28 =	simm.s32 $0x4980;
	s29 =	simm.s32 $0x6200;
	s7 =	sadd.s32 $0x6200, s23  }
0x12: {  	[tilespmem:s28], [sflag:$0x1] =	stream.linear.gather [hbm4b:s7+s5], $0x1880, $0x38;
	[tilespmem:$0x18120] =	vst v63  }
0x13: {  	s30 =	sshll.u32 s1, $0x5;
	s31 =	sshll.u32 s1, $0x2;
	s4 =	sadd.s32 s26, s6  }
0x14: {  	[tilespmem:s29], [sflag:$0x1] =	stream.linear.gather [hbm4b:s4+s5], $0x1880, $0x38;
	[tilespmem:$0x18120] =	vst v63  }
0x15: {  	v0 =	vimm.f32 $0.0e+00;
	s3 =	sadd.s32 s3, s31;
	s4 =	sadd.s32 s30, s2  }
.LBB2_2:
0x16: {  	p0 =	sne.s32 s5, $0x3FE00  }
.Ltmp1:
0x17: {  	_ = 	snop;
	(pc) =	sbr.rel @p0 .LBB2_2-.Ltmp1, $3  }
0x18: {  	_ =	sdelay $0x1  }
0x19: {  	s6 =	sshra.s32 s5, $0x2  }
0x1a: {  	s5 =	sadd.s32 $0x200, s5;
	[tilespmem:s6+$0x7A80] =	vst v0  }
0x1b: {  	s6 =	simm.s32 $0x0;
	v0 =	vlaneseq.u32  }
0x1c: {  	s5 =	simm.s32 $0x17C80;
	v1 =	vor.u32 s6, v0  }
0x1d: {  	s6 =	simm.s32 $0x10;
	[tilespmem:s5+$0x0] =	vst v1  }
.LBB2_4:
0x1e: {  	p0 =	sne.s32 s6, $0x1F0  }
.Ltmp2:
0x1f: {  	_ = 	snop;
	(pc) =	sbr.rel @p0 .LBB2_4-.Ltmp2, $3  }
0x20: {  	_ =	sdelay $0x1  }
0x21: {  	v1 =	vor.u32 s6, v0;
	s6 =	sadd.s32 $0x10, s6;
	s5 =	sadd.s32 $0x10, s5  }
0x22: {  	[tilespmem:s5+$0x0] =	vst v1  }
0x23: {  	p0 =	sne.s32 s1, $0x0  }
0x24: {  	v0 =	vimm.f32 @!p0 $0.0e+00  }
0x25: {  	[tilespmem:$0x17E80] =	vst @!p0 v0  }
0x26: {  	[tilespmem:$0x17E90] =	vst @!p0 v0  }
0x27: {  	[tilespmem:$0x17EA0] =	vst @!p0 v0  }
0x28: {  	[tilespmem:$0x17EB0] =	vst @!p0 v0  }
0x29: {  	[tilespmem:$0x17EC0] =	vst @!p0 v0  }
0x2a: {  	[tilespmem:$0x17ED0] =	vst @!p0 v0  }
0x2b: {  	[tilespmem:$0x17EE0] =	vst @!p0 v0  }
0x2c: {  	[tilespmem:$0x17EF0] =	vst @!p0 v0  }
0x2d: {  	[tilespmem:$0x17F00] =	vst @!p0 v0  }
0x2e: {  	[tilespmem:$0x17F10] =	vst @!p0 v0  }
0x2f: {  	[tilespmem:$0x17F20] =	vst @!p0 v0  }
0x30: {  	[tilespmem:$0x17F30] =	vst @!p0 v0  }
0x31: {  	[tilespmem:$0x17F40] =	vst @!p0 v0  }
0x32: {  	[tilespmem:$0x17F50] =	vst @!p0 v0  }
0x33: {  	[tilespmem:$0x17F60] =	vst @!p0 v0  }
0x34: {  	[tilespmem:$0x17F70] =	vst @!p0 v0  }
0x35: {  	[tilespmem:$0x17F80] =	vst @!p0 v0  }
0x36: {  	[tilespmem:$0x17F90] =	vst @!p0 v0  }
0x37: {  	[tilespmem:$0x17FA0] =	vst @!p0 v0  }
0x38: {  	[tilespmem:$0x17FB0] =	vst @!p0 v0  }
0x39: {  	[tilespmem:$0x17FC0] =	vst @!p0 v0  }
0x3a: {  	[tilespmem:$0x17FD0] =	vst @!p0 v0  }
0x3b: {  	[tilespmem:$0x17FE0] =	vst @!p0 v0  }
0x3c: {  	[tilespmem:$0x17FF0] =	vst @!p0 v0  }
0x3d: {  	[tilespmem:$0x18000] =	vst @!p0 v0  }
0x3e: {  	[tilespmem:$0x18010] =	vst @!p0 v0  }
0x3f: {  	[tilespmem:$0x18020] =	vst @!p0 v0  }
0x40: {  	[tilespmem:$0x18030] =	vst @!p0 v0  }
0x41: {  	[tilespmem:$0x18040] =	vst @!p0 v0  }
0x42: {  	[tilespmem:$0x18050] =	vst @!p0 v0  }
0x43: {  	[tilespmem:$0x18060] =	vst @!p0 v0  }
0x44: {  	s5 =	simm.s32 @!p0 $0x17E80;
	[tilespmem:$0x18070] =	vst @!p0 v0  }
0x45: {  	[spmem:s2] =	stream.linear.scatter @!p0 [tilespmem:s5], [sflag:$0x2], $0x200, $0x38;
	[tilespmem:$0x18120] =	vst v63  }
0x46: {  	s5 =	simm.s32 @!p0 $0x2  }
0x47: {  	_ =	swait.ge @!p0 [sflag:s5], $0x200  }
0x48: {  	[sflag:s5] =	ssyncset.done @!p0 $0x0  }
0x49: {  	s31 =	simm.s32 $0x1;
	[sflag:s5] =	ssyncadd.s32 @!p0 $0xFFFFFE00  }
0x4a: {  	_ =	swait.ge [sflag:s31], $0x1880  }
0x4b: {  	[sflag:s31] =	ssyncset.done $0x0  }
0x4c: {  	[sflag:s31] =	ssyncadd.s32 $0xFFFFE780  }
0x4d: {  	_ =	swait.ge [sflag:s31], $0x1880  }
0x4e: {  	[sflag:s31] =	ssyncset.done $0x0  }
0x4f: {  	[sflag:s31] =	ssyncadd.s32 $0xFFFFE780  }
0x50: {  	_ =	swait.ge [sflag:s31], $0x1880  }
0x51: {  	[sflag:s31] =	ssyncset.done $0x0  }
0x52: {  	[sflag:s31] =	ssyncadd.s32 $0xFFFFE780  }
0x53: {  	_ =	swait.ge [sflag:s31], $0x1880  }
0x54: {  	[sflag:s31] =	ssyncset.done $0x0  }
0x55: {  	[sflag:s31] =	ssyncadd.s32 $0xFFFFE780  }
0x56: {  	_ =	swait.ge [sflag:s31], $0x1880  }
0x57: {  	[sflag:s31] =	ssyncset.done $0x0  }
0x58: {  	s8 =	simm.s32 $0x0;
	[sflag:s31] =	ssyncadd.s32 $0xFFFFE780  }
0x59: {  	s6 =	simm.s32 $0x0;
	v1 =	vlaneseq.u32;
	s7 =	simm.s32 $0x40;
	s5 =	simm.s32 $0x7A80;
	v0 =	vld [tilespmem:s8+$0x3100]  }
.LBB2_6:
0x5a: {  	p0 =	sne.s32 s7, $0x61C0;
	v2 =	vld [tilespmem:s8+$0x1880];
	_ =	sdelay $0x1  }
0x5b: {  	v3 =	vld [tilespmem:s8+$0x4980]  }
0x5c: {  	v4 =	vld [tilespmem:s8+$0x6200];
	_ =	sdelay $0x1  }
0x5d: {  	v0 =	vmul.f32 v0, v0;
	v2 =	vmul.f32 v2, v2  }
0x5e: {  	v5 =	vld [tilespmem:s8+$0x0]  }
0x5f: {  	v0 =	vadd.f32 v0, v2;
	v2 =	vmul.f32 v3, v3  }
0x60: {  	v3 =	vshll.u32 v4, $0x7  }
0x61: {  	v0 =	vadd.f32 v2, v0;
	v2 =	vor.u32 v1, v3;
	_ =	sdelay $0x1  }
.Ltmp3:
0x62: {  	v3 =	vmul.f32 v0, v5;
	(pc) =	sbr.rel @p0 .LBB2_6-.Ltmp3, $4  }
0x63: {  	vm0 =	vgt.f32 v0, $0.0e+00  }
0x64: {  	v0 =	vnsel vm0, $0x0, v3  }
0x65: {  	s8 =	sshra.s32 s7, $0x2;
	[tilespmem:v2+s5+$0x0] =	vst.idx.add.f32.msk $0xffff, v0  }
0x66: {  	s7 =	sadd.s32 $0x40, s7;
	v0 =	vld [tilespmem:s8+$0x3100]  }
0x67: {  	v2 =	vld [tilespmem:s8+$0x1880];
	_ =	sdelay $0x1  }
0x68: {  	v3 =	vld [tilespmem:s8+$0x4980]  }
0x69: {  	v4 =	vld [tilespmem:s8+$0x6200];
	_ =	sdelay $0x1  }
0x6a: {  	v0 =	vmul.f32 v0, v0;
	v2 =	vmul.f32 v2, v2  }
0x6b: {  	v5 =	vld [tilespmem:s8+$0x0]  }
0x6c: {  	v3 =	vmul.f32 v3, v3;
	v2 =	vadd.f32 v0, v2;
	v0 =	vlaneseq.u32  }
0x6d: {  	v6 =	vmov s6;
	v4 =	vshll.u32 v4, $0x7;
	v0 =	vmul.u32 $0x80, v0  }
0x6e: {  	v1 =	vor.u32 v1, v4;
	v2 =	vadd.f32 v3, v2;
	v3 =	vshll.u32 v6, $0x7  }
0x6f: {  	v3 =	vor.u32 v0, v3  }
0x70: {  	v4 =	vmul.f32 v2, v5  }
0x71: {  	vm0 =	vgt.f32 v2, $0.0e+00;
	v2 =	vor.u32 $0x1, v3  }
0x72: {  	v4 =	vnsel vm0, $0x0, v4  }
0x73: {  	[tilespmem:v1+s5+$0x0] =	vst.idx.add.f32.msk $0xffff, v4;
	s5 =	simm.s32 $0x7A80;
	v1 =	vor.u32 $0x2, v3  }
0x74: {  	v4 =	vld.idx.msk [tilespmem:v3+s5+$0x0], $0xffff  }
0x75: {  	v5 =	vor.u32 $0x3, v3  }
0x76: {  	v2 =	vld.idx.msk [tilespmem:v2+s5+$0x0], $0xffff  }
0x77: {  	v6 =	vor.u32 $0x4, v3  }
0x78: {  	v1 =	vld.idx.msk [tilespmem:v1+s5+$0x0], $0xffff  }
0x79: {  	v7 =	vor.u32 $0x5, v3;
	v4 =	vadd.f32 $0.0e+00, v4  }
0x7a: {  	v5 =	vld.idx.msk [tilespmem:v5+s5+$0x0], $0xffff  }
0x7b: {  	v8 =	vor.u32 $0x6, v3;
	v2 =	vadd.f32 v2, v4  }
0x7c: {  	v4 =	vld.idx.msk [tilespmem:v6+s5+$0x0], $0xffff  }
0x7d: {  	v6 =	vor.u32 $0x7, v3;
	v1 =	vadd.f32 v1, v2  }
0x7e: {  	v2 =	vld.idx.msk [tilespmem:v7+s5+$0x0], $0xffff  }
0x7f: {  	v7 =	vor.u32 $0x8, v3;
	v1 =	vadd.f32 v5, v1  }
0x80: {  	v5 =	vld.idx.msk [tilespmem:v8+s5+$0x0], $0xffff  }
0x81: {  	v59 =	vor.u32 $0x9, v3;
	v1 =	vadd.f32 v4, v1  }
0x82: {  	v4 =	vld.idx.msk [tilespmem:v6+s5+$0x0], $0xffff  }
0x83: {  	v6 =	vor.u32 $0xA, v3;
	v1 =	vadd.f32 v2, v1  }
0x84: {  	v2 =	vld.idx.msk [tilespmem:v7+s5+$0x0], $0xffff  }
0x85: {  	v7 =	vor.u32 $0xB, v3;
	v1 =	vadd.f32 v5, v1  }
0x86: {  	v5 =	vld.idx.msk [tilespmem:v59+s5+$0x0], $0xffff  }
0x87: {  	v60 =	vor.u32 $0xC, v3;
	v1 =	vadd.f32 v4, v1  }
0x88: {  	v4 =	vld.idx.msk [tilespmem:v6+s5+$0x0], $0xffff  }
0x89: {  	v6 =	vor.u32 $0xD, v3;
	v1 =	vadd.f32 v2, v1  }
0x8a: {  	v2 =	vld.idx.msk [tilespmem:v7+s5+$0x0], $0xffff  }
0x8b: {  	v7 =	vor.u32 $0xE, v3;
	v1 =	vadd.f32 v5, v1  }
0x8c: {  	v5 =	vld.idx.msk [tilespmem:v60+s5+$0x0], $0xffff  }
0x8d: {  	v3 =	vor.u32 $0xF, v3;
	v1 =	vadd.f32 v4, v1  }
0x8e: {  	v4 =	vld.idx.msk [tilespmem:v6+s5+$0x0], $0xffff  }
0x8f: {  	v1 =	vadd.f32 v2, v1  }
0x90: {  	v2 =	vld.idx.msk [tilespmem:v7+s5+$0x0], $0xffff  }
0x91: {  	v1 =	vadd.f32 v5, v1  }
0x92: {  	s31 =	simm.s32 $0x10;
	v3 =	vld.idx.msk [tilespmem:v3+s5+$0x0], $0xffff  }
0x93: {  	v5 =	vmov s31;
	v1 =	vadd.f32 v4, v1  }
0x94: {  	v4 =	vshll.u32 v5, $0x7  }
0x95: {  	v4 =	vor.u32 v0, v4;
	v1 =	vadd.f32 v2, v1;
	_ =	sdelay $0x1  }
0x96: {  	v2 =	vor.u32 $0x1, v4;
	v1 =	vadd.f32 v3, v1  }
0x97: {  	s6 =	simm.s32 $0x17A80  }
0x98: {  	v3 =	vor.u32 $0x2, v4;
	[tilespmem:s6+$0x0] =	vst v1  }
0x99: {  	v1 =	vld.idx.msk [tilespmem:v4+s5+$0x0], $0xffff  }
0x9a: {  	v5 =	vor.u32 $0x3, v4  }
0x9b: {  	v2 =	vld.idx.msk [tilespmem:v2+s5+$0x0], $0xffff  }
0x9c: {  	v6 =	vor.u32 $0x4, v4  }
0x9d: {  	v3 =	vld.idx.msk [tilespmem:v3+s5+$0x0], $0xffff  }
0x9e: {  	v7 =	vor.u32 $0x5, v4;
	v1 =	vadd.f32 $0.0e+00, v1  }
0x9f: {  	v5 =	vld.idx.msk [tilespmem:v5+s5+$0x0], $0xffff  }
0xa0: {  	v61 =	vor.u32 $0x6, v4;
	v1 =	vadd.f32 v2, v1  }
0xa1: {  	v2 =	vld.idx.msk [tilespmem:v6+s5+$0x0], $0xffff  }
0xa2: {  	v6 =	vor.u32 $0x7, v4;
	v1 =	vadd.f32 v3, v1  }
0xa3: {  	v3 =	vld.idx.msk [tilespmem:v7+s5+$0x0], $0xffff  }
0xa4: {  	v7 =	vor.u32 $0x8, v4;
	v1 =	vadd.f32 v5, v1  }
0xa5: {  	v5 =	vld.idx.msk [tilespmem:v61+s5+$0x0], $0xffff  }
0xa6: {  	v62 =	vor.u32 $0x9, v4;
	v1 =	vadd.f32 v2, v1  }
0xa7: {  	v2 =	vld.idx.msk [tilespmem:v6+s5+$0x0], $0xffff  }
0xa8: {  	v6 =	vor.u32 $0xA, v4;
	v1 =	vadd.f32 v3, v1  }
0xa9: {  	v3 =	vld.idx.msk [tilespmem:v7+s5+$0x0], $0xffff  }
0xaa: {  	v7 =	vor.u32 $0xB, v4;
	v1 =	vadd.f32 v5, v1  }
0xab: {  	v5 =	vld.idx.msk [tilespmem:v62+s5+$0x0], $0xffff  }
0xac: {  	v63 =	vor.u32 $0xC, v4;
	v1 =	vadd.f32 v2, v1  }
0xad: {  	v2 =	vld.idx.msk [tilespmem:v6+s5+$0x0], $0xffff  }
0xae: {  	v6 =	vor.u32 $0xD, v4;
	v1 =	vadd.f32 v3, v1  }
0xaf: {  	v3 =	vld.idx.msk [tilespmem:v7+s5+$0x0], $0xffff  }
0xb0: {  	v7 =	vor.u32 $0xE, v4;
	v1 =	vadd.f32 v5, v1  }
0xb1: {  	v5 =	vld.idx.msk [tilespmem:v63+s5+$0x0], $0xffff  }
0xb2: {  	v4 =	vor.u32 $0xF, v4;
	v1 =	vadd.f32 v2, v1  }
0xb3: {  	v6 =	vld.idx.msk [tilespmem:v6+s5+$0x0], $0xffff  }
0xb4: {  	v1 =	vadd.f32 v3, v1  }
0xb5: {  	v2 =	vld.idx.msk [tilespmem:v7+s5+$0x0], $0xffff  }
0xb6: {  	v3 =	vadd.f32 v5, v1  }
0xb7: {  	s7 =	simm.s32 $0x20;
	v1 =	vld.idx.msk [tilespmem:v4+s5+$0x0], $0xffff  }
0xb8: {  	v4 =	vmov s7;
	s7 =	simm.s32 $0x30;
	v3 =	vadd.f32 v6, v3  }
.LBB2_8:
0xb9: {  	p0 =	sne.s32 s7, $0x1F0;
	v4 =	vshll.u32 v4, $0x7  }
0xba: {  	v4 =	vor.u32 v0, v4;
	v2 =	vadd.f32 v2, v3;
	_ =	sdelay $0x1  }
0xbb: {  	v3 =	vor.u32 $0x1, v4;
	v1 =	vadd.f32 v1, v2  }
0xbc: {  	s6 =	sadd.s32 $0x10, s6  }
0xbd: {  	v2 =	vor.u32 $0x2, v4;
	[tilespmem:s6+$0x0] =	vst v1  }
0xbe: {  	v1 =	vld.idx.msk [tilespmem:v4+s5+$0x0], $0xffff  }
0xbf: {  	v5 =	vor.u32 $0x3, v4  }
0xc0: {  	v3 =	vld.idx.msk [tilespmem:v3+s5+$0x0], $0xffff  }
0xc1: {  	v6 =	vor.u32 $0x4, v4  }
0xc2: {  	v2 =	vld.idx.msk [tilespmem:v2+s5+$0x0], $0xffff  }
0xc3: {  	v7 =	vor.u32 $0x5, v4  }
0xc4: {  	v1 =	vadd.f32 $0.0e+00, v1;
	v5 =	vld.idx.msk [tilespmem:v5+s5+$0x0], $0xffff  }
0xc5: {  	v8 =	vor.u32 $0x6, v4  }
0xc6: {  	v1 =	vadd.f32 v3, v1;
	v3 =	vld.idx.msk [tilespmem:v6+s5+$0x0], $0xffff  }
0xc7: {  	v6 =	vor.u32 $0x7, v4  }
0xc8: {  	v1 =	vadd.f32 v2, v1;
	v2 =	vld.idx.msk [tilespmem:v7+s5+$0x0], $0xffff  }
0xc9: {  	v7 =	vor.u32 $0x8, v4  }
0xca: {  	v1 =	vadd.f32 v5, v1;
	v5 =	vld.idx.msk [tilespmem:v8+s5+$0x0], $0xffff  }
0xcb: {  	v8 =	vor.u32 $0x9, v4  }
0xcc: {  	v1 =	vadd.f32 v3, v1;
	v3 =	vld.idx.msk [tilespmem:v6+s5+$0x0], $0xffff  }
0xcd: {  	v6 =	vor.u32 $0xA, v4  }
0xce: {  	v1 =	vadd.f32 v2, v1;
	v2 =	vld.idx.msk [tilespmem:v7+s5+$0x0], $0xffff  }
0xcf: {  	v7 =	vor.u32 $0xB, v4  }
0xd0: {  	v1 =	vadd.f32 v5, v1;
	v5 =	vld.idx.msk [tilespmem:v8+s5+$0x0], $0xffff  }
0xd1: {  	v8 =	vor.u32 $0xC, v4  }
0xd2: {  	v1 =	vadd.f32 v3, v1;
	v3 =	vld.idx.msk [tilespmem:v6+s5+$0x0], $0xffff  }
0xd3: {  	v6 =	vor.u32 $0xD, v4  }
0xd4: {  	v1 =	vadd.f32 v2, v1;
	v2 =	vld.idx.msk [tilespmem:v7+s5+$0x0], $0xffff  }
0xd5: {  	v7 =	vor.u32 $0xE, v4  }
0xd6: {  	v1 =	vadd.f32 v5, v1;
	v5 =	vld.idx.msk [tilespmem:v8+s5+$0x0], $0xffff  }
0xd7: {  	v4 =	vor.u32 $0xF, v4  }
0xd8: {  	v1 =	vadd.f32 v3, v1;
	v3 =	vld.idx.msk [tilespmem:v6+s5+$0x0], $0xffff;
	_ =	sdelay $0x1  }
.Ltmp4:
0xd9: {  	v1 =	vadd.f32 v2, v1;
	v2 =	vld.idx.msk [tilespmem:v7+s5+$0x0], $0xffff;
	(pc) =	sbr.rel @p0 .LBB2_8-.Ltmp4, $3  }
0xda: {  	_ = 	snop  }
0xdb: {  	v5 =	vadd.f32 v5, v1;
	v1 =	vld.idx.msk [tilespmem:v4+s5+$0x0], $0xffff;
	_ =	sdelay $0x1  }
0xdc: {  	v4 =	vmov s7;
	s7 =	sadd.s32 $0x10, s7;
	v3 =	vadd.f32 v3, v5  }
0xdd: {  	v4 =	vshll.u32 v4, $0x7  }
0xde: {  	v0 =	vor.u32 v0, v4;
	v2 =	vadd.f32 v2, v3;
	_ =	sdelay $0x1  }
0xdf: {  	v43 =	vor.u32 $0x1, v0;
	v1 =	vadd.f32 v1, v2  }
0xe0: {  	s6 =	sadd.s32 $0x10, s6  }
0xe1: {  	v44 =	vor.u32 $0x2, v0;
	[tilespmem:s6+$0x0] =	vst v1  }
0xe2: {  	v1 =	vld.idx.msk [tilespmem:v0+s5+$0x0], $0xffff  }
0xe3: {  	v4 =	vor.u32 $0x3, v0  }
0xe4: {  	v3 =	vld.idx.msk [tilespmem:v43+s5+$0x0], $0xffff  }
0xe5: {  	v5 =	vor.u32 $0x4, v0  }
0xe6: {  	v2 =	vld.idx.msk [tilespmem:v44+s5+$0x0], $0xffff  }
0xe7: {  	v6 =	vor.u32 $0x5, v0;
	v1 =	vadd.f32 $0.0e+00, v1  }
0xe8: {  	v4 =	vld.idx.msk [tilespmem:v4+s5+$0x0], $0xffff  }
0xe9: {  	v7 =	vor.u32 $0x6, v0;
	v1 =	vadd.f32 v3, v1  }
0xea: {  	v45 =	vld.idx.msk [tilespmem:v5+s5+$0x0], $0xffff  }
0xeb: {  	v46 =	vor.u32 $0x7, v0;
	v1 =	vadd.f32 v2, v1  }
0xec: {  	v47 =	vld.idx.msk [tilespmem:v6+s5+$0x0], $0xffff  }
0xed: {  	v48 =	vor.u32 $0x8, v0;
	v1 =	vadd.f32 v4, v1  }
0xee: {  	v49 =	vld.idx.msk [tilespmem:v7+s5+$0x0], $0xffff  }
0xef: {  	v50 =	vor.u32 $0x9, v0;
	v1 =	vadd.f32 v45, v1  }
0xf0: {  	v51 =	vld.idx.msk [tilespmem:v46+s5+$0x0], $0xffff  }
0xf1: {  	v52 =	vor.u32 $0xA, v0;
	v1 =	vadd.f32 v47, v1  }
0xf2: {  	v53 =	vld.idx.msk [tilespmem:v48+s5+$0x0], $0xffff  }
0xf3: {  	v54 =	vor.u32 $0xB, v0;
	v1 =	vadd.f32 v49, v1  }
0xf4: {  	v55 =	vld.idx.msk [tilespmem:v50+s5+$0x0], $0xffff  }
0xf5: {  	v56 =	vor.u32 $0xC, v0;
	v1 =	vadd.f32 v51, v1  }
0xf6: {  	v57 =	vld.idx.msk [tilespmem:v52+s5+$0x0], $0xffff  }
0xf7: {  	v58 =	vor.u32 $0xD, v0;
	v1 =	vadd.f32 v53, v1  }
0xf8: {  	v59 =	vld.idx.msk [tilespmem:v54+s5+$0x0], $0xffff  }
0xf9: {  	v60 =	vor.u32 $0xE, v0;
	v1 =	vadd.f32 v55, v1  }
0xfa: {  	v61 =	vld.idx.msk [tilespmem:v56+s5+$0x0], $0xffff  }
0xfb: {  	v0 =	vor.u32 $0xF, v0;
	v1 =	vadd.f32 v57, v1  }
0xfc: {  	v62 =	vld.idx.msk [tilespmem:v58+s5+$0x0], $0xffff  }
0xfd: {  	v1 =	vadd.f32 v59, v1  }
0xfe: {  	v63 =	vld.idx.msk [tilespmem:v60+s5+$0x0], $0xffff  }
0xff: {  	v1 =	vadd.f32 v61, v1  }
0x100: {  	v0 =	vld.idx.msk [tilespmem:v0+s5+$0x0], $0xffff  }
0x101: {  	v1 =	vadd.f32 v62, v1;
	_ =	sdelay $0x1  }
0x102: {  	v1 =	vadd.f32 v63, v1;
	_ =	sdelay $0x1  }
0x103: {  	v0 =	vadd.f32 v0, v1  }
0x104: {  	s25 =	sadd.s32 $0x10, s6  }
0x105: {  	s26 =	simm.s32 $0x200;
	s28 =	simm.s32 $0x17C80;
	[tilespmem:s25+$0x0] =	vst v0  }
0x106: {  	s7 =	simm.s32 $0x17A80;
	s29 =	simm.s32 $0x2;
	[bflag:$0x0] =	sbarrier.arrive $0xFFFF  }
0x107: {  	[spmem:s2] =	stream.indirect.scatter.add.f32 [tilespmem:s7], [sflag:$0x2], $0x1, s28, s26, $0xb8;
	[tilespmem:$0x18120] =	vst v63  }
0x108: {  	_ =	swait.ge [sflag:s29], $0x200  }
0x109: {  	[sflag:s29] =	ssyncset.done $0x0  }
0x10a: {  	[sflag:s29] =	ssyncadd.s32 $0xFFFFFE00  }
0x10b: {  	s30 =	simm.s32 $0x18080;
	[bflag:$0x0] =	sbarrier.arrive $0xFFFF  }
0x10c: {  	[tilespmem:s30], [sflag:$0x2] =	stream.linear.gather [spmem:s4], $0x20, $0x38;
	[tilespmem:$0x18120] =	vst v63  }
0x10d: {  	_ =	swait.ge [sflag:s29], $0x20  }
0x10e: {  	[sflag:s29] =	ssyncset.done $0x0  }
0x10f: {  	s31 =	simm.s32 $0x0;
	[sflag:s29] =	ssyncadd.s32 $0xFFFFFFE0  }
0x110: {  	[hbm4b:s3+s31] =	stream.linear.scatter [tilespmem:s30], [sflag:$0x2], $0x20, $0x38;
	[tilespmem:$0x18120] =	vst v63  }
0x111: {  	_ =	swait.ge [sflag:s29], $0x20  }
0x112: {  	[sflag:s29] =	ssyncset.done $0x0  }
0x113: {  	[sflag:s29] =	ssyncadd.s32 $0xFFFFFFE0  }
.LBB2_10:
0x114: {  	_ =	sfence.sel $0x180000  }
0x115: {  	[bflag:$0x0] =	sbarrier.arrive $0xFFFF  }
0x116: {  	p0 =	sne.s32 s1, $0x0;
	_ =	strace $0x90000047  }
0x117: {  	s0 =	sadd.s32 @!p0 $0x100000, s0;
	[bflag:$0x2] =	sbarrier.arrive $0xFFFF  }
0x118: {  	[sflag:s0] =	ssyncadd.tile.s32 @!p0 $0x1;
	_ =	shalt  }
.Lfunc_end2:
_tile_overlayer_lowered:
.L_overlay_start_2:
0x119: {  	(tag) =	ssettag $0x2  }
0x11a: {  	s0 =	rddreg [dreg:$0x0];
	s2 =	stileid.u32  }
0x11b: {  	s1 =	rddreg [dreg:$0x1];
	p0 =	sne.s32 s2, $0x0  }
0x11c: {  	s3 =	rddreg [dreg:$0x2];
	[bflag:$0x3] =	sbarrier.arrive $0xFFFF;
	s2 =	simm.s32 @!p0 $0x1C02  }
0x11d: {  	[timem:s3], [sflag:s2] =	dma.local @!p0 [hbm:s0], s1  }
0x11e: {  	s0 =	simm.s32 @!p0 $0x2  }
0x11f: {  	_ =	swait.ge @!p0 [sflag:s0], s1  }
0x120: {  	s1 =	ssub.s32 @!p0 $0x0, s1;
	[sflag:s0] =	ssyncset.done @!p0 $0x0  }
0x121: {  	[sflag:s0] =	ssyncadd.s32 @!p0 s1  }
0x122: {  	[bflag:$0x3] =	sbarrier.arrive $0xFFFF  }
0x123: {  	_ =	shalt  }

</sc_bundles>
